<compile_context>
chip_gen: v7x
topology: tpu7x:2x2x1
jax: 0.10.2.dev20260603
libtpu: 0.0.44.dev20260713+nightly
codegen_flags: <defaults>
</compile_context>

<pallas_src>
import functools

import jax
import jax.numpy as jnp
from jax.experimental import pallas as pl
from jax.experimental.pallas import tpu as pltpu

KK = 128
DD = 256
TT = 512
NN = 32768
MM = 8
CC = TT + KK


def _norm_logits_body(slot_ref, keys_ref, logits_ref):
    logits_ref[...] = jax.lax.dot_general(
        slot_ref[...], keys_ref[...], (((1,), (1,)), ((), ())),
        preferred_element_type=jnp.float32)


def _norm_logits(slot_n, keys_n, bn=4096):
    grid = (NN // bn,)
    return pl.pallas_call(
        _norm_logits_body,
        grid=grid,
        in_specs=[
            pl.BlockSpec((KK, DD), lambda i: (0, 0)),
            pl.BlockSpec((bn, DD), lambda i: (i, 0)),
        ],
        out_specs=pl.BlockSpec((KK, bn), lambda i: (0, i)),
        out_shape=jax.ShapeDtypeStruct((KK, NN), jnp.float32),
    )(slot_n, keys_n)


def _expkeys_body(qp_ref, keysn_ref, out_ref):
    @pl.when(pl.program_id(0) == 0)
    def _():
        out_ref[...] = jnp.zeros_like(out_ref)

    out_ref[...] += jax.lax.dot_general(
        qp_ref[...], keysn_ref[...], (((1,), (0,)), ((), ())),
        preferred_element_type=jnp.float32)


def _expkeys(q_probs, keys_n, bn=4096):
    grid = (NN // bn,)
    return pl.pallas_call(
        _expkeys_body,
        grid=grid,
        in_specs=[
            pl.BlockSpec((KK, bn), lambda i: (0, i)),
            pl.BlockSpec((bn, DD), lambda i: (i, 0)),
        ],
        out_specs=pl.BlockSpec((KK, DD), lambda i: (0, 0)),
        out_shape=jax.ShapeDtypeStruct((KK, DD), jnp.float32),
    )(q_probs, keys_n)


NEG = -1e30


def _select_body(tau_ref, cv_ref, ci_ref, g_ref, soft_ref, idx_ref):
    tau = tau_ref[0]
    rj = jax.lax.broadcasted_iota(jnp.int32, (CC, CC), 0)
    rc = jax.lax.broadcasted_iota(jnp.int32, (CC, CC), 1)
    Mcum = (rj <= rc).astype(jnp.float32)
    r512 = jax.lax.broadcasted_iota(jnp.int32, (TT, CC), 0)
    lane_i = jax.lax.broadcasted_iota(jnp.int32, (1, CC), 1)
    lane_k = jax.lax.broadcasted_iota(jnp.int32, (1, KK), 1)
    row128 = jax.lax.broadcasted_iota(jnp.int32, (KK, 1), 0)

    def body(k, carry):
        selcol, idxrow = carry
        cv_k = cv_ref[pl.ds(k, 1), :]
        ci_k = ci_ref[pl.ds(k, 1), :]
        g_k = g_ref[pl.ds(k, 1), :]
        eq = (ci_k == selcol).astype(jnp.float32)
        deadcnt = jnp.sum(eq, axis=0, keepdims=True)
        surv = (deadcnt == 0.0)
        survf = surv.astype(jnp.float32)
        cum = jax.lax.dot_general(survf, Mcum, (((1,), (0,)), ((), ())),
                                  preferred_element_type=jnp.float32)
        rank = cum - 1.0
        rank_i = rank.astype(jnp.int32)
        is_top = surv & (rank < float(TT))
        onehotT = (jnp.broadcast_to(rank_i, (TT, CC)) == r512).astype(jnp.float32)
        gn = jax.lax.dot_general(g_k, onehotT, (((1,), (0,)), ((), ())),
                                 preferred_element_type=jnp.float32)
        s = jnp.where(is_top, (cv_k + gn) / tau, NEG)
        m = jnp.max(s, axis=1, keepdims=True)
        e = jnp.exp(s - m)
        soft = e / jnp.sum(e, axis=1, keepdims=True)
        soft = jnp.where(is_top, soft, 0.0)
        m2 = jnp.max(soft, axis=1, keepdims=True)
        pos = jnp.min(jnp.where(soft == m2, lane_i, CC), axis=1, keepdims=True)
        hardmask = lane_i == pos
        idx_hard = jnp.sum(jnp.where(hardmask, ci_k, 0))
        soft_ref[pl.ds(k, 1), :] = soft
        selcol = jnp.where(row128 == k, idx_hard, selcol)
        idxrow = jnp.where(lane_k == k, idx_hard, idxrow)
        return selcol, idxrow

    selcol0 = jnp.full((KK, 1), -1, jnp.int32)
    idxrow0 = jnp.full((1, KK), -1, jnp.int32)
    _, idxrow = jax.lax.fori_loop(0, KK, body, (selcol0, idxrow0))
    idx_ref[...] = idxrow


def _pallas_select(cv, ci, g, tau):
    tau_a = jnp.full((1,), tau, jnp.float32)
    soft, idx = pl.pallas_call(
        _select_body,
        in_specs=[
            pl.BlockSpec(memory_space=pltpu.SMEM),
            pl.BlockSpec(memory_space=pltpu.VMEM),
            pl.BlockSpec(memory_space=pltpu.VMEM),
            pl.BlockSpec(memory_space=pltpu.VMEM),
        ],
        out_specs=[
            pl.BlockSpec(memory_space=pltpu.VMEM),
            pl.BlockSpec(memory_space=pltpu.VMEM),
        ],
        out_shape=[
            jax.ShapeDtypeStruct((KK, CC), jnp.float32),
            jax.ShapeDtypeStruct((1, KK), jnp.int32),
        ],
    )(tau_a, cv, ci, g)
    return soft, idx[0]


def _gumbel():
    gkey = jax.random.key(42)
    ks = jnp.arange(KK)
    u = jax.vmap(lambda k: jax.random.uniform(
        jax.random.fold_in(gkey, k), (TT,), dtype=jnp.float32))(ks)
    return -jnp.log(-jnp.log(u + 1e-09) + 1e-09)


def kernel(keys, mem_cache, y_cache, tau, slot_q):
    keys_n = keys.astype(jnp.float32)
    keys_n = keys_n / (jnp.linalg.norm(keys_n, axis=-1, keepdims=True) + 1e-6)
    slot_n = slot_q.astype(jnp.float32)
    slot_n = slot_n / (jnp.linalg.norm(slot_n, axis=-1, keepdims=True) + 1e-6)
    logits_full = _norm_logits(slot_n, keys_n)
    NCH = 16
    ch = NN // NCH
    lg3 = logits_full.reshape(KK, NCH, ch)
    cv1, ci1 = jax.lax.top_k(lg3, CC)
    gi1 = (ci1 + (jnp.arange(NCH, dtype=jnp.int32) * ch)[None, :, None])
    cv2 = cv1.reshape(KK, NCH * CC)
    gi2 = gi1.reshape(KK, NCH * CC)
    cv, pos = jax.lax.top_k(cv2, CC)
    ci = jnp.take_along_axis(gi2, pos, axis=1)
    g = _gumbel()
    tau_f = jnp.asarray(tau, jnp.float32)
    soft_all, idx_hard = _pallas_select(cv, ci, g, tau_f)

    rows = jnp.broadcast_to(jnp.arange(KK)[:, None], (KK, CC))
    q_probs = jnp.zeros((KK, NN), jnp.float32).at[rows, ci].set(soft_all)
    q_st = jnp.zeros((KK, NN), jnp.float32).at[jnp.arange(KK), idx_hard].set(1.0)
    Mem_sel = mem_cache[idx_hard].astype(jnp.float32)
    exp_keys = _expkeys(q_probs, keys_n)
    return (Mem_sel, idx_hard, logits_full, q_probs, q_st, exp_keys)

# --- scband reference (transcript-rebuilt; emitter-appended) ---
"""Pipeline reference for scband-slot-selector-81690277970459 (READ-ONLY COPY).

The authoritative reference and input builder live on the scoring server;
editing this copy changes nothing except your own understanding.
"""

import jax, jax.numpy as jnp
import numpy as np

K = 128
D = 256
T = 512
N = 32768
M = 8


def l2norm(x, eps=1e-06):
    return x / (jnp.linalg.norm(x, axis=-1, keepdims=True) + eps)


def setup_inputs(seed: int = 0) -> dict:
    key = jax.random.key(seed)
    k1, k2, k3, k4 = jax.random.split(key, 4)
    keys = jax.random.normal(k1, (N, D), dtype=jnp.float32)
    mem_cache = jax.random.normal(k2, (N, M, D), dtype=jnp.float32)
    y_cache = jax.random.normal(k3, (N, M), dtype=jnp.float32)
    slot_q = jax.random.normal(k4, (K, D), dtype=jnp.float32) * 0.02
    return {"keys": keys, "mem_cache": mem_cache, "y_cache": y_cache, "tau": 1, "slot_q": slot_q}


def reference(keys, mem_cache, y_cache, tau, slot_q):
    keys_n = l2norm(keys.astype(jnp.float32))
    slot_n = l2norm(slot_q.astype(jnp.float32))
    logits_full = slot_n @ keys_n.T  # [K, N]
    Nn = keys_n.shape[0]
    selected_mask = jnp.zeros((Nn,), dtype=bool)
    gkey = jax.random.key(42)
    mem_list = []
    idx_list = []
    qp_list = []
    qst_list = []
    ek_list = []
    for k in range(K):
        logits = jnp.where(selected_mask, jnp.float32(-1e9), logits_full[k])
        topv, topi = jax.lax.top_k(logits, T)
        u = jax.random.uniform(jax.random.fold_in(gkey, k), (T,), dtype=jnp.float32)
        g = -jnp.log(-jnp.log(u + 1e-09) + 1e-09)
        soft = jax.nn.softmax((topv + g) / tau)
        hard_idx = jnp.argmax(soft)
        hard = jnp.zeros_like(soft).at[hard_idx].set(1.0)
        w = hard - jax.lax.stop_gradient(soft) + soft
        cand_mem = mem_cache[topi].astype(jnp.float32)  # gather [T, M, D]
        mem_k = (w[:, None, None] * cand_mem).sum(axis=0)
        mem_list.append(mem_k)
        idx_hard = topi[hard_idx]
        idx_list.append(idx_hard)
        selected_mask = selected_mask.at[idx_hard].set(True)
        q_prob_full = jnp.zeros((Nn,), jnp.float32).at[topi].set(soft)
        qp_list.append(q_prob_full)
        q_st_full = jnp.zeros((Nn,), jnp.float32).at[topi].set(w)
        qst_list.append(q_st_full)
        exp_key = (soft[:, None] * keys_n[topi]).sum(axis=0)
        ek_list.append(exp_key)
    Mem_sel = jnp.stack(mem_list, axis=0)
    idx_hard = jnp.stack(idx_list, axis=0)
    q_probs = jnp.stack(qp_list, axis=0)
    q_st = jnp.stack(qst_list, axis=0)
    exp_keys = jnp.stack(ek_list, axis=0)
    return (Mem_sel, idx_hard, logits_full, q_probs, q_st, exp_keys)

if __name__ == "__main__":
    import jax
    _d = setup_inputs()
    print(jax.jit(kernel)(*tuple(_d.values())))

</pallas_src>

<mosaic_0001>
module attributes {stable_mosaic.version = 14 : i64} {
  func.func @_norm_logits_body(%arg0: i32, %arg1: memref<128x256xf32, #tpu.memory_space<vmem>>, %arg2: memref<4096x256xf32, #tpu.memory_space<vmem>>, %arg3: memref<128x4096xf32, #tpu.memory_space<vmem>>) attributes {dimension_semantics = [#tpu.dimension_semantics<arbitrary>], iteration_bounds = array<i64: 8>, scalar_prefetch = 0 : i64, scratch_operands = 0 : i64, tpu.core_type = #tpu.core_type<tc>, window_params = [{pipeline_mode = #tpu.pipeline_mode<synchronous>, transform_indices = @transform_0, window_bounds = array<i64: 128, 256>}, {transform_indices = @transform_1, window_bounds = array<i64: 4096, 256>}, {transform_indices = @transform_2, window_bounds = array<i64: 128, 4096>}]} {
    %get3A = arith.constant 0 : index
    %get3A_0 = arith.constant 0 : index
    %get3A_1 = vector.load %arg1[%get3A, %get3A_0] : memref<128x256xf32, #tpu.memory_space<vmem>>, vector<128x256xf32>
    %get3A_2 = arith.constant 0 : index
    %get3A_3 = arith.constant 0 : index
    %get3A_4 = vector.load %arg2[%get3A_2, %get3A_3] : memref<4096x256xf32, #tpu.memory_space<vmem>>, vector<4096x256xf32>
    %dot_general3A = arith.constant dense<0.000000e+00> : vector<128x4096xf32>
    %dot_general3A_5 = tpu.matmul %get3A_1, %get3A_4, %dot_general3A {dimension_numbers = #tpu.dot_dimension_numbers<[1], [1], [0], [0], [0, 0, 1, 0], [], []>, transpose_lhs_hint = false} : vector<128x256xf32>, vector<4096x256xf32>, vector<128x4096xf32> -> vector<128x4096xf32>
    %swap3A = arith.constant 0 : index
    %swap3A_6 = arith.constant 0 : index
    %swap3A_7 = vector.load %arg3[%swap3A, %swap3A_6] : memref<128x4096xf32, #tpu.memory_space<vmem>>, vector<128x4096xf32>
    tpu.vector_store %arg3[%swap3A, %swap3A_6], %dot_general3A_5 {strides = array<i32>} : memref<128x4096xf32, #tpu.memory_space<vmem>>, vector<128x4096xf32>,
    return
  }
  func.func @transform_0(%arg0: i32) -> (i32, i32) {
    %c0_i32 = arith.constant 0 : i32
    %c0_i32_0 = arith.constant 0 : i32
    %c0_i32_1 = arith.constant 0 : i32
    return %c0_i32, %c0_i32_0 : i32, i32
  }
  func.func @transform_1(%arg0: i32) -> (i32, i32) {
    %c0_i32 = arith.constant 0 : i32
    %c0_i32_0 = arith.constant 0 : i32
    return %arg0, %c0_i32 : i32, i32
  }
  func.func @transform_2(%arg0: i32) -> (i32, i32) {
    %c0_i32 = arith.constant 0 : i32
    %c0_i32_0 = arith.constant 0 : i32
    return %c0_i32, %arg0 : i32, i32
  }
}

module attributes {stable_mosaic.version = 14 : i64} {
  func.func @_select_body(%arg0: memref<1xf32, #tpu.memory_space<smem>>, %arg1: memref<128x640xf32, #tpu.memory_space<vmem>>, %arg2: memref<128x640xi32, #tpu.memory_space<vmem>>, %arg3: memref<128x512xf32, #tpu.memory_space<vmem>>, %arg4: memref<128x640xf32, #tpu.memory_space<vmem>>, %arg5: memref<1x128xi32, #tpu.memory_space<vmem>>) attributes {dimension_semantics = [], scalar_prefetch = 0 : i64, scratch_operands = 0 : i64, tpu.core_type = #tpu.core_type<tc>} {
    %get3A = arith.constant 0 : index
    %get3A_0 = memref.load %arg0[%get3A] : memref<1xf32, #tpu.memory_space<smem>>
    %iota3A = tpu.iota {dimensions = array<i32: 0>} : vector<640x640xi32>
    %iota3A_1 = tpu.iota {dimensions = array<i32: 1>} : vector<640x640xi32>
    %le3A = arith.cmpi sle, %iota3A, %iota3A_1 : vector<640x640xi32>
    %convert_element_type3A = arith.extui %le3A : vector<640x640xi1> to vector<640x640xi32>
    %convert_element_type3A_2 = arith.sitofp %convert_element_type3A : vector<640x640xi32> to vector<640x640xf32>
    %iota3A_3 = tpu.iota {dimensions = array<i32: 0>} : vector<512x640xi32>
    %iota3A_4 = tpu.iota {dimensions = array<i32: 1>} : vector<1x640xi32>
    %iota3A_5 = tpu.iota {dimensions = array<i32: 1>} : vector<1x128xi32>
    %iota3A_6 = tpu.iota {dimensions = array<i32: 0>} : vector<128x1xi32>
    %broadcast_in_dim3A = arith.constant -1 : i32
    %broadcast_in_dim3A_7 = vector.broadcast %broadcast_in_dim3A : i32 to vector<128x1xi32>
    %broadcast_in_dim3A_8 = arith.constant -1 : i32
    %broadcast_in_dim3A_9 = vector.broadcast %broadcast_in_dim3A_8 : i32 to vector<1x128xi32>
    %scan3A = arith.constant 0 : i32
    %scan3A_10 = arith.constant 128 : i32
    %scan3A_11 = arith.addi %scan3A, %scan3A_10 : i32
    %scan3A_12 = arith.constant 1 : i32
    %scan3A_13:2 = scf.for %scan3A_17 = %scan3A to %scan3A_11 step %scan3A_12 iter_args(%scan3A_18 = %broadcast_in_dim3A_7, %scan3A_19 = %broadcast_in_dim3A_9) -> (vector<128x1xi32>, vector<1x128xi32>)  : i32 {
      %get3A_20 = arith.index_cast %scan3A_17 : i32 to index
      %get3A_21 = arith.constant 0 : index
      %get3A_22 = vector.load %arg1[%get3A_20, %get3A_21] : memref<128x640xf32, #tpu.memory_space<vmem>>, vector<1x640xf32>
      %get3A_23 = arith.index_cast %scan3A_17 : i32 to index
      %get3A_24 = arith.constant 0 : index
      %get3A_25 = vector.load %arg2[%get3A_23, %get3A_24] : memref<128x640xi32, #tpu.memory_space<vmem>>, vector<1x640xi32>
      %get3A_26 = arith.index_cast %scan3A_17 : i32 to index
      %get3A_27 = arith.constant 0 : index
      %get3A_28 = vector.load %arg3[%get3A_26, %get3A_27] : memref<128x512xf32, #tpu.memory_space<vmem>>, vector<1x512xf32>
      %eq3A = vector.broadcast %get3A_25 : vector<1x640xi32> to vector<128x640xi32>
      %eq3A_29 = vector.broadcast %scan3A_18 : vector<128x1xi32> to vector<128x640xi32>
      %eq3A_30 = arith.cmpi eq, %eq3A, %eq3A_29 : vector<128x640xi32>
      %convert_element_type3A_31 = arith.extui %eq3A_30 : vector<128x640xi1> to vector<128x640xi32>
      %convert_element_type3A_32 = arith.sitofp %convert_element_type3A_31 : vector<128x640xi32> to vector<128x640xf32>
      %reduce_sum3A = arith.constant dense<0.000000e+00> : vector<640xf32>
      %reduce_sum3A_33 = vector.multi_reduction <add>, %convert_element_type3A_32, %reduce_sum3A [0] : vector<128x640xf32> to vector<640xf32>
      %broadcast_in_dim3A_34 = vector.shape_cast %reduce_sum3A_33 : vector<640xf32> to vector<1x640xf32>
      %eq3A_35 = arith.constant 0.000000e+00 : f32
      %eq3A_36 = vector.broadcast %eq3A_35 : f32 to vector<1x640xf32>
      %eq3A_37 = arith.cmpf oeq, %broadcast_in_dim3A_34, %eq3A_36 : vector<1x640xf32>
      %convert_element_type3A_38 = arith.extui %eq3A_37 : vector<1x640xi1> to vector<1x640xi32>
      %convert_element_type3A_39 = arith.sitofp %convert_element_type3A_38 : vector<1x640xi32> to vector<1x640xf32>
      %dot_general3A = arith.constant dense<0.000000e+00> : vector<1x640xf32>
      %dot_general3A_40 = tpu.matmul %convert_element_type3A_39, %convert_element_type3A_2, %dot_general3A {dimension_numbers = #tpu.dot_dimension_numbers<[1], [0], [0], [1], [0, 0, 1, 1], [], []>, transpose_lhs_hint = false} : vector<1x640xf32>, vector<640x640xf32>, vector<1x640xf32> -> vector<1x640xf32>
      %sub3A = arith.constant 1.000000e+00 : f32
      %sub3A_41 = vector.broadcast %sub3A : f32 to vector<1x640xf32>
      %sub3A_42 = arith.subf %dot_general3A_40, %sub3A_41 : vector<1x640xf32>
      %convert_element_type3A_43 = arith.fptosi %sub3A_42 : vector<1x640xf32> to vector<1x640xi32>
      %lt3A = arith.constant 5.120000e+02 : f32
      %lt3A_44 = vector.broadcast %lt3A : f32 to vector<1x640xf32>
      %lt3A_45 = arith.cmpf olt, %sub3A_42, %lt3A_44 : vector<1x640xf32>
      %and3A = arith.andi %eq3A_37, %lt3A_45 : vector<1x640xi1>
      %broadcast_in_dim3A_46 = vector.shape_cast %convert_element_type3A_43 : vector<1x640xi32> to vector<1x640xi32>
      %broadcast_in_dim3A_47 = vector.broadcast %broadcast_in_dim3A_46 : vector<1x640xi32> to vector<512x640xi32>
      %eq3A_48 = arith.cmpi eq, %broadcast_in_dim3A_47, %iota3A_3 : vector<512x640xi32>
      %convert_element_type3A_49 = arith.extui %eq3A_48 : vector<512x640xi1> to vector<512x640xi32>
      %convert_element_type3A_50 = arith.sitofp %convert_element_type3A_49 : vector<512x640xi32> to vector<512x640xf32>
      %dot_general3A_51 = arith.constant dense<0.000000e+00> : vector<1x640xf32>
      %dot_general3A_52 = tpu.matmul %get3A_28, %convert_element_type3A_50, %dot_general3A_51 {dimension_numbers = #tpu.dot_dimension_numbers<[1], [0], [0], [1], [0, 0, 1, 1], [], []>, transpose_lhs_hint = false} : vector<1x512xf32>, vector<512x640xf32>, vector<1x640xf32> -> vector<1x640xf32>
      %add3A = arith.addf %get3A_22, %dot_general3A_52 : vector<1x640xf32>
      %div3A = vector.broadcast %get3A_0 : f32 to vector<1x640xf32>
      %div3A_53 = arith.divf %add3A, %div3A : vector<1x640xf32>
      %jit3A = arith.constant -1.000000e+30 : f32
      %broadcast_in_dim3A_54 = vector.broadcast %jit3A : f32 to vector<1x640xf32>
      %select_n3A = arith.select %and3A, %div3A_53, %broadcast_in_dim3A_54 : vector<1x640xi1>, vector<1x640xf32>
      %reduce_max3A = arith.constant dense<0xFF800000> : vector<1xf32>
      %reduce_max3A_55 = vector.multi_reduction <maximumf>, %select_n3A, %reduce_max3A [1] : vector<1x640xf32> to vector<1xf32>
      %broadcast_in_dim3A_56 = vector.shape_cast %reduce_max3A_55 : vector<1xf32> to vector<1x1xf32>
      %sub3A_57 = vector.broadcast %broadcast_in_dim3A_56 : vector<1x1xf32> to vector<1x640xf32>
      %sub3A_58 = arith.subf %select_n3A, %sub3A_57 : vector<1x640xf32>
      %exp3A = math.exp %sub3A_58 : vector<1x640xf32>
      %reduce_sum3A_59 = arith.constant dense<0.000000e+00> : vector<1xf32>
      %reduce_sum3A_60 = vector.multi_reduction <add>, %exp3A, %reduce_sum3A_59 [1] : vector<1x640xf32> to vector<1xf32>
      %broadcast_in_dim3A_61 = vector.shape_cast %reduce_sum3A_60 : vector<1xf32> to vector<1x1xf32>
      %div3A_62 = vector.broadcast %broadcast_in_dim3A_61 : vector<1x1xf32> to vector<1x640xf32>
      %div3A_63 = arith.divf %exp3A, %div3A_62 : vector<1x640xf32>
      %jit3A_64 = arith.constant 0.000000e+00 : f32
      %broadcast_in_dim3A_65 = vector.broadcast %jit3A_64 : f32 to vector<1x640xf32>
      %select_n3A_66 = arith.select %and3A, %div3A_63, %broadcast_in_dim3A_65 : vector<1x640xi1>, vector<1x640xf32>
      %reduce_max3A_67 = arith.constant dense<0xFF800000> : vector<1xf32>
      %reduce_max3A_68 = vector.multi_reduction <maximumf>, %select_n3A_66, %reduce_max3A_67 [1] : vector<1x640xf32> to vector<1xf32>
      %broadcast_in_dim3A_69 = vector.shape_cast %reduce_max3A_68 : vector<1xf32> to vector<1x1xf32>
      %eq3A_70 = vector.broadcast %broadcast_in_dim3A_69 : vector<1x1xf32> to vector<1x640xf32>
      %eq3A_71 = arith.cmpf oeq, %select_n3A_66, %eq3A_70 : vector<1x640xf32>
      %jit3A_72 = arith.constant 640 : i32
      %broadcast_in_dim3A_73 = vector.broadcast %jit3A_72 : i32 to vector<1x640xi32>
      %select_n3A_74 = arith.select %eq3A_71, %iota3A_4, %broadcast_in_dim3A_73 : vector<1x640xi1>, vector<1x640xi32>
      %reduce_min3A = arith.constant dense<2147483647> : vector<1xi32>
      %reduce_min3A_75 = vector.multi_reduction <minsi>, %select_n3A_74, %reduce_min3A [1] : vector<1x640xi32> to vector<1xi32>
      %broadcast_in_dim3A_76 = vector.shape_cast %reduce_min3A_75 : vector<1xi32> to vector<1x1xi32>
      %eq3A_77 = vector.broadcast %broadcast_in_dim3A_76 : vector<1x1xi32> to vector<1x640xi32>
      %eq3A_78 = arith.cmpi eq, %iota3A_4, %eq3A_77 : vector<1x640xi32>
      %jit3A_79 = arith.constant 0 : i32
      %broadcast_in_dim3A_80 = vector.broadcast %jit3A_79 : i32 to vector<1x640xi32>
      %select_n3A_81 = arith.select %eq3A_78, %get3A_25, %broadcast_in_dim3A_80 : vector<1x640xi1>, vector<1x640xi32>
      %reduce_sum3A_82 = vector.shape_cast %select_n3A_81 : vector<1x640xi32> to vector<1x1x640xi32>
      %reduce_sum3A_83 = arith.constant dense<0> : vector<1xi32>
      %reduce_sum3A_84 = vector.multi_reduction <add>, %reduce_sum3A_82, %reduce_sum3A_83 [1, 2] : vector<1x1x640xi32> to vector<1xi32>
      %reduce_sum3A_85 = vector.shape_cast %reduce_sum3A_84 : vector<1xi32> to vector<1x1x1xi32>
      %reduce_sum3A_86 = vector.extract %reduce_sum3A_85[0, 0, 0] : i32 from vector<1x1x1xi32>
      %swap3A_87 = arith.index_cast %scan3A_17 : i32 to index
      %swap3A_88 = arith.constant 0 : index
      %swap3A_89 = vector.load %arg4[%swap3A_87, %swap3A_88] : memref<128x640xf32, #tpu.memory_space<vmem>>, vector<1x640xf32>
      tpu.vector_store %arg4[%swap3A_87, %swap3A_88], %select_n3A_66 {strides = array<i32>} : memref<128x640xf32, #tpu.memory_space<vmem>>, vector<1x640xf32>,
      %eq3A_90 = vector.broadcast %scan3A_17 : i32 to vector<128x1xi32>
      %eq3A_91 = arith.cmpi eq, %iota3A_6, %eq3A_90 : vector<128x1xi32>
      %broadcast_in_dim3A_92 = vector.broadcast %reduce_sum3A_86 : i32 to vector<128x1xi32>
      %select_n3A_93 = arith.select %eq3A_91, %broadcast_in_dim3A_92, %scan3A_18 : vector<128x1xi1>, vector<128x1xi32>
      %eq3A_94 = vector.broadcast %scan3A_17 : i32 to vector<1x128xi32>
      %eq3A_95 = arith.cmpi eq, %iota3A_5, %eq3A_94 : vector<1x128xi32>
      %broadcast_in_dim3A_96 = vector.broadcast %reduce_sum3A_86 : i32 to vector<1x128xi32>
      %select_n3A_97 = arith.select %eq3A_95, %broadcast_in_dim3A_96, %scan3A_19 : vector<1x128xi1>, vector<1x128xi32>
      scf.yield %select_n3A_93, %select_n3A_97 : vector<128x1xi32>, vector<1x128xi32>
    }
    %scan3A_14 = arith.constant 128 : i32
    %swap3A = arith.constant 0 : index
    %swap3A_15 = arith.constant 0 : index
    %swap3A_16 = vector.load %arg5[%swap3A, %swap3A_15] : memref<1x128xi32, #tpu.memory_space<vmem>>, vector<1x128xi32>
    tpu.vector_store %arg5[%swap3A, %swap3A_15], %scan3A_13#1 {strides = array<i32>} : memref<1x128xi32, #tpu.memory_space<vmem>>, vector<1x128xi32>,
    return
  }
}

module attributes {stable_mosaic.version = 14 : i64} {
  func.func @_expkeys_body(%arg0: i32, %arg1: memref<128x4096xf32, #tpu.memory_space<vmem>>, %arg2: memref<4096x256xf32, #tpu.memory_space<vmem>>, %arg3: memref<128x256xf32, #tpu.memory_space<vmem>>) attributes {dimension_semantics = [#tpu.dimension_semantics<arbitrary>], iteration_bounds = array<i64: 8>, scalar_prefetch = 0 : i64, scratch_operands = 0 : i64, tpu.core_type = #tpu.core_type<tc>, window_params = [{transform_indices = @transform_0, window_bounds = array<i64: 128, 4096>}, {transform_indices = @transform_1, window_bounds = array<i64: 4096, 256>}, {pipeline_mode = #tpu.pipeline_mode<synchronous>, transform_indices = @transform_2, window_bounds = array<i64: 128, 256>}]} {
    %eq3A = arith.constant 0 : i32
    %eq3A_0 = arith.cmpi eq, %arg0, %eq3A : i32
    %convert_element_type3A = arith.extui %eq3A_0 : i1 to i32
    %cond3A = arith.constant 0 : i32
    %cond3A_1 = arith.cmpi ne, %convert_element_type3A, %cond3A : i32
    scf.if %cond3A_1 {
      %broadcast_in_dim3A = arith.constant 0.000000e+00 : f32
      %broadcast_in_dim3A_13 = vector.broadcast %broadcast_in_dim3A : f32 to vector<128x256xf32>
      %swap3A_14 = arith.constant 0 : index
      %swap3A_15 = arith.constant 0 : index
      %swap3A_16 = vector.load %arg3[%swap3A_14, %swap3A_15] : memref<128x256xf32, #tpu.memory_space<vmem>>, vector<128x256xf32>
      tpu.vector_store %arg3[%swap3A_14, %swap3A_15], %broadcast_in_dim3A_13 {strides = array<i32>} : memref<128x256xf32, #tpu.memory_space<vmem>>, vector<128x256xf32>,
    } else {
    }
    %get3A = arith.constant 0 : index
    %get3A_2 = arith.constant 0 : index
    %get3A_3 = vector.load %arg3[%get3A, %get3A_2] : memref<128x256xf32, #tpu.memory_space<vmem>>, vector<128x256xf32>
    %get3A_4 = arith.constant 0 : index
    %get3A_5 = arith.constant 0 : index
    %get3A_6 = vector.load %arg1[%get3A_4, %get3A_5] : memref<128x4096xf32, #tpu.memory_space<vmem>>, vector<128x4096xf32>
    %get3A_7 = arith.constant 0 : index
    %get3A_8 = arith.constant 0 : index
    %get3A_9 = vector.load %arg2[%get3A_7, %get3A_8] : memref<4096x256xf32, #tpu.memory_space<vmem>>, vector<4096x256xf32>
    %dot_general3A = arith.constant dense<0.000000e+00> : vector<128x256xf32>
    %dot_general3A_10 = tpu.matmul %get3A_6, %get3A_9, %dot_general3A {dimension_numbers = #tpu.dot_dimension_numbers<[1], [0], [0], [1], [0, 0, 1, 1], [], []>, transpose_lhs_hint = false} : vector<128x4096xf32>, vector<4096x256xf32>, vector<128x256xf32> -> vector<128x256xf32>
    %add3A = arith.addf %get3A_3, %dot_general3A_10 : vector<128x256xf32>
    %swap3A = arith.constant 0 : index
    %swap3A_11 = arith.constant 0 : index
    %swap3A_12 = vector.load %arg3[%swap3A, %swap3A_11] : memref<128x256xf32, #tpu.memory_space<vmem>>, vector<128x256xf32>
    tpu.vector_store %arg3[%swap3A, %swap3A_11], %add3A {strides = array<i32>} : memref<128x256xf32, #tpu.memory_space<vmem>>, vector<128x256xf32>,
    return
  }
  func.func @transform_0(%arg0: i32) -> (i32, i32) {
    %c0_i32 = arith.constant 0 : i32
    %c0_i32_0 = arith.constant 0 : i32
    return %c0_i32, %arg0 : i32, i32
  }
  func.func @transform_1(%arg0: i32) -> (i32, i32) {
    %c0_i32 = arith.constant 0 : i32
    %c0_i32_0 = arith.constant 0 : i32
    return %arg0, %c0_i32 : i32, i32
  }
  func.func @transform_2(%arg0: i32) -> (i32, i32) {
    %c0_i32 = arith.constant 0 : i32
    %c0_i32_0 = arith.constant 0 : i32
    %c0_i32_1 = arith.constant 0 : i32
    return %c0_i32, %c0_i32_0 : i32, i32
  }
}

</mosaic_0001>

<sc_bundles>
// kernel: gather_offload_async_start
scs
__scs_entry_jumppad:
0x0: {  	(pc) =	sbr.rel $0x88, $3  }
0x1: {  	(tag) =	ssettag $0x0;
	lr =	simm.s32 $0x1  }
0x2: {  	[smem:$0x3F9D] =	sst lr;
	_ =	strace $0xD0000000  }
0x3: {  	_ = 	snop  }
0x4: {  	_ = 	snop  }
0x5: {  	_ = 	snop  }
0x6: {  	_ = 	snop  }
0x7: {  	_ = 	snop  }
__scs_overlays_trampoline_lowered:
0x8: {  	[smem:$0x3FAC] =	sst s0  }
0x9: {  	[smem:$0x3FAD] =	sst s1  }
0xa: {  	[smem:$0x3FAE] =	sst s2  }
0xb: {  	[smem:$0x3FAF] =	sst s3  }
0xc: {  	[smem:$0x3FB0] =	sst s4  }
0xd: {  	[smem:$0x3FB1] =	sst s5  }
0xe: {  	[smem:$0x3FB2] =	sst s6  }
0xf: {  	[smem:$0x3FB3] =	sst s7  }
0x10: {  	[smem:$0x3FB4] =	sst s8  }
0x11: {  	[smem:$0x3FB5] =	sst s9;
	s0 =	simm.s32 @!p0 $0x0  }
0x12: {  	s1 =	sld [smem:$0x3F9B];
	s0 =	simm.s32 @p0 $0x1  }
0x13: {  	[smem:$0x3FB6] =	sst s0;
	s0 =	simm.s32 @!p1 $0x0  }
0x14: {  	s2 =	sld [smem:$0x3F9A];
	s0 =	simm.s32 @p1 $0x1  }
0x15: {  	[smem:$0x3FB7] =	sst s0;
	s0 =	simm.s32 @!p2 $0x0  }
0x16: {  	s3 =	sld [smem:$0x3FDB];
	s0 =	simm.s32 @p2 $0x1  }
0x17: {  	s4 =	simm.s32 $0x1BF5;
	[smem:$0x3FB9] =	sst s0  }
0x18: {  	s0 =	sld [smem:$0x3F9C];
	_ =	swait.ge [sflag:s4], $0x0  }
0x19: {  	s7 =	sld [smem:$0x3F9D]  }
0x1a: {  	s8 =	sadd.s32 $0xFFFFE003, lr  }
0x1b: {  	s9 =	sadd.s32 $0xFFFFFEF7, lr;
	s5 =	simm.s32 $0xFFFFFFFF;
	p2 =	slt.u32 s8, $0xFFFFF086  }
0x1c: {  	p1 =	slt.u32 s9, $0xF7A;
	s5 =	simm.s32 @!p2 $0x0  }
0x1d: {  	s5 =	simm.s32 @p1 $0x1;
	p0 =	seq.s32 s7, s2  }
0x1e: {  	s7 =	smul.u32 @!p0 $0xF7A, s2;
	p2 =	seq.s32 @!p0 s5, $0x0  }
0x1f: {  	s9 =	smul.u32 $0xF7A, s1;
	s8 =	simm.s32 @!p0 $0x1BF5;
	p2 =	por !p2, p0  }
0x20: {  	[sflag:s8] =	ssyncset.s32 @!p0 $0xFFFFF086;
	s6 =	sadd.s32 @!p0 s3, s7;
	s7 =	simm.s32 @!p0 $0x108  }
0x21: {  	s3 =	sadd.s32 s3, s9;
	s6 =	sadd.s32 @!p0 $0x88, s6;
	s7 =	simm.s32 @p2 $0x1082  }
0x22: {  	[simem:s7], [sflag:s8] =	dma.local @!p0 [hbm:s6], $0xF7A  }
0x23: {  	s9 =	sor.u32 $0xD0000000, s2;
	s6 =	simm.s32 $0x108;
	_ =	swait.ge @!p0 [sflag:s8], $0x0  }
0x24: {  	s3 =	sadd.s32 $0x88, s3;
	s6 =	simm.s32 @!p1 $0x1082;
	[sflag:s4] =	ssyncset.s32 $0xFFFFF086  }
0x25: {  	[simem:s6], [sflag:s4] =	dma.local [hbm:s3], $0xF7A  }
0x26: {  	[smem:$0x3F9D] =	sst s1;
	(tag) =	ssettag s2;
	_ =	strace s9  }
0x27: {  	s1 =	sld [smem:$0x3FAD]  }
0x28: {  	s2 =	sld [smem:$0x3FAE]  }
0x29: {  	s4 =	sld [smem:$0x3FB0]  }
0x2a: {  	p0 =	seq.s32 s5, $0x0;
	s5 =	sld [smem:$0x3FB1]  }
0x2b: {  	s6 =	sld [smem:$0x3FB2]  }
0x2c: {  	s7 =	sld [smem:$0x3FB3]  }
0x2d: {  	s3 =	simm.s32 $0x108;
	s8 =	sld [smem:$0x3FB4]  }
0x2e: {  	s3 =	simm.s32 @!p0 $0x1082;
	s9 =	sld [smem:$0x3FB5]  }
0x2f: {  	lr =	sadd.s32 s0, s3;
	s0 =	sld [smem:$0x3FAC]  }
0x30: {  	s3 =	sld [smem:$0x3FAF]  }
0x31: {  	[smem:$0x3FB8] =	sst s10  }
0x32: {  	s10 =	sld [smem:$0x3FB6];
	_ =	sdelay $0x3  }
0x33: {  	p0 =	seq.s32 s10, $0x1;
	s10 =	sld [smem:$0x3FB8];
	_ =	sdelay $0x3  }
0x34: {  	[smem:$0x3FB8] =	sst s10  }
0x35: {  	s10 =	sld [smem:$0x3FB7];
	_ =	sdelay $0x3  }
0x36: {  	p1 =	seq.s32 s10, $0x1;
	s10 =	sld [smem:$0x3FB8];
	_ =	sdelay $0x3  }
0x37: {  	[smem:$0x3FB8] =	sst s10  }
0x38: {  	s10 =	sld [smem:$0x3FB9]  }
0x39: {  	_ = 	snop;
	(pc) =	sbr.ind lr, $3  }
0x3a: {  	_ = 	snop  }
0x3b: {  	_ = 	snop  }
0x3c: {  	p2 =	seq.s32 s10, $0x1;
	s10 =	sld [smem:$0x3FB8]  }
0x3d: {  	_ =	shalt  }
0x3e: {  	_ =	shalt  }
0x3f: {  	_ =	shalt  }
0x40: {  	_ =	shalt  }
0x41: {  	_ =	shalt  }
0x42: {  	_ =	shalt  }
0x43: {  	_ =	shalt  }
0x44: {  	_ =	shalt  }
0x45: {  	_ =	shalt  }
0x46: {  	_ =	shalt  }
0x47: {  	_ =	shalt  }
0x48: {  	_ =	shalt  }
0x49: {  	_ =	shalt  }
0x4a: {  	_ =	shalt  }
0x4b: {  	_ =	shalt  }
0x4c: {  	_ =	shalt  }
0x4d: {  	_ =	shalt  }
0x4e: {  	_ =	shalt  }
0x4f: {  	_ =	shalt  }
0x50: {  	_ =	shalt  }
0x51: {  	_ =	shalt  }
0x52: {  	_ =	shalt  }
0x53: {  	_ =	shalt  }
0x54: {  	_ =	shalt  }
0x55: {  	_ =	shalt  }
0x56: {  	_ =	shalt  }
0x57: {  	_ =	shalt  }
0x58: {  	_ =	shalt  }
0x59: {  	_ =	shalt  }
0x5a: {  	_ =	shalt  }
0x5b: {  	_ =	shalt  }
0x5c: {  	_ =	shalt  }
0x5d: {  	_ =	shalt  }
0x5e: {  	_ =	shalt  }
0x5f: {  	_ =	shalt  }
0x60: {  	_ =	shalt  }
0x61: {  	_ =	shalt  }
0x62: {  	_ =	shalt  }
0x63: {  	_ =	shalt  }
0x64: {  	_ =	shalt  }
0x65: {  	_ =	shalt  }
0x66: {  	_ =	shalt  }
0x67: {  	_ =	shalt  }
0x68: {  	_ =	shalt  }
0x69: {  	_ =	shalt  }
0x6a: {  	_ =	shalt  }
0x6b: {  	_ =	shalt  }
0x6c: {  	_ =	shalt  }
0x6d: {  	_ =	shalt  }
0x6e: {  	_ =	shalt  }
0x6f: {  	_ =	shalt  }
0x70: {  	_ =	shalt  }
0x71: {  	_ =	shalt  }
0x72: {  	_ =	shalt  }
0x73: {  	_ =	shalt  }
0x74: {  	_ =	shalt  }
0x75: {  	_ =	shalt  }
0x76: {  	_ =	shalt  }
0x77: {  	_ =	shalt  }
0x78: {  	_ =	shalt  }
0x79: {  	_ =	shalt  }
0x7a: {  	_ =	shalt  }
0x7b: {  	_ =	shalt  }
0x7c: {  	_ =	shalt  }
0x7d: {  	_ =	shalt  }
0x7e: {  	_ =	shalt  }
0x7f: {  	_ =	shalt  }
0x80: {  	_ =	shalt  }
0x81: {  	_ =	shalt  }
0x82: {  	_ =	shalt  }
0x83: {  	_ =	shalt  }
0x84: {  	_ =	shalt  }
0x85: {  	_ =	shalt  }
0x86: {  	_ =	shalt  }
0x87: {  	_ =	shalt  }
.Lfunc_end0:
.L_simem_size_0:
called_computation_lowered:
.L_overlay_start_0:
0x88: {  	s2 =	sld [smem:$0x3FD9]  }
0x89: {  	s3 =	sld [smem:$0x3FFE];
	_ =	sdelay $0x1  }
0x8a: {  	s1 =	srdreg.scid  }
0x8b: {  	s0 =	sand.u32 $0x1, s1  }
0x8c: {  	s14 =	sshll.u32 s0, $0xA;
	s2 =	sadd.s32 s3, s2  }
0x8d: {  	s2 =	sadd.s32 s2, s14  }
0x8e: {  	[smem:$0x3FC4] =	sst s2  }
0x8f: {  	_ = 	snop  }
0x90: {  	s2 =	sld [smem:$0x3FD0];
	_ =	sdelay $0x2  }
0x91: {  	s15 =	simm.s32 $0xA;
	s4 =	simm.s32 $0x10  }
0x92: {  	[smem:s4], [sflag:s15] =	dma.local [hbm:s2], $0x1  }
0x93: {  	_ =	swait.eq [sflag:s15], $0x1  }
0x94: {  	[sflag:s15] =	ssyncset.done $0x0  }
0x95: {  	[sflag:s15] =	ssyncadd.s32 $0xFFFFFFFF  }
0x96: {  	s16 =	sld [smem:$0x14];
	(tm) =	ssettm $0x1  }
0x97: {  	s17 =	sld [smem:$0x3FFB];
	_ =	sdelay $0x3  }
0x98: {  	_ =	strace s17  }
0x99: {  	s3 =	sld [smem:$0x3FFC];
	_ =	sdelay $0x3  }
0x9a: {  	_ =	strace s3  }
0x9b: {  	s3 =	sld [smem:$0x3FFD];
	_ =	sdelay $0x3  }
0x9c: {  	_ =	strace s3  }
0x9d: {  	_ =	strace $0x8FFFFFFF  }
0x9e: {  	s18 =	sld [smem:$0x3FDB];
	_ =	sdelay $0x1  }
0x9f: {  	s19 =	simm.s32 $_scs_section_size  }
0xa0: {  	s5 =	simm.s32 $_size__tile_overlayer_lowered;
	s6 =	simm.s32 $_tile_overlayer_lowered  }
0xa1: {  	s22 =	simm.s32 $0x1BFF;
	s21 =	sshll.u32 s6, $0x1;
	s3 =	sadd.s32 s19, s18  }
0xa2: {  	s7 =	simm.s32 $0x0;
	s20 =	sshll.u32 s5, $0x1;
	s5 =	sadd.s32 s21, s3  }
0xa3: {  	[timem:s7], [sflag:s22] =	dma.local [hbm:s5], s20  }
0xa4: {  	_ =	swait.ge [sflag:s22], s20  }
0xa5: {  	s4 =	ssub.s32 $0x0, s20;
	[sflag:s22] =	ssyncset.done $0x0  }
0xa6: {  	[sflag:s22] =	ssyncadd.s32 s4;
	_ =	sdelay $0x1  }
0xa7: {  	s23 =	simm.s32 $0x1B8B  }
0xa8: {  	_ =	swait.ge [sflag:s23], $0x1  }
0xa9: {  	[sflag:s23] =	ssyncset.done $0x0  }
0xaa: {  	s25 =	simm.s32 $0x1B8E;
	s24 =	sld [smem:$0x3FFE];
	[sflag:s23] =	ssyncadd.s32 $0xFFFFFFFF  }
0xab: {  	s26 =	simm.s32 $execute0_lowered;
	[smem:$0x3FD2] =	sst s25  }
0xac: {  	s5 =	sshll.u32 s26, $0x1;
	_ =	strace $0x80000046;
	[dreg:$0x1] =	wrdreg $0xFFFFFFFF  }
0xad: {  	s28 =	simm.s32 $_size_execute0_lowered;
	s3 =	sadd.s32 s3, s5;
	[dreg:$0x0] =	wrdreg $0x0  }
0xae: {  	s5 =	sshll.u32 s28, $0x1;
	[dreg:$0x2] =	wrdreg s3  }
0xaf: {  	[dreg:$0x3] =	wrdreg s5  }
0xb0: {  	[dreg:$0x4] =	wrdreg $0xC0  }
0xb1: {  	_ =	task [dreg:s7], $0x5FFFF  }
0xb2: {  	[dreg:$0x1] =	wrdreg $0xFFFFFFFF  }
0xb3: {  	[dreg:$0x0] =	wrdreg $0x60  }
0xb4: {  	[dreg:$0x2] =	wrdreg s16  }
0xb5: {  	[dreg:$0x3] =	wrdreg s24  }
0xb6: {  	[dreg:$0x4] =	wrdreg $0x9  }
0xb7: {  	_ =	task.clear_ibuf [dreg:s7], $0x5FFFF;
	_ =	strace $0x90000046  }
0xb8: {  	s29 =	simm.s32 $0x9;
	_ =	strace $0x80000048  }
0xb9: {  	_ =	swait.ge [sflag:s29], $0x1  }
0xba: {  	[sflag:s29] =	ssyncadd.s32 $0xFFFFFFFF  }
0xbb: {  	_ =	strace $0x90000048  }
0xbc: {  	_ =	sfence  }
0xbd: {  	s30 =	sld [smem:$0x0];
	_ =	sdelay $0x2  }
0xbe: {  	s31 =	sshll.u32 s1, $0xD;
	s1 =	sshrl.u32 s1, $0x2  }
0xbf: {  	s3 =	sand.u32 $0x4000, s31;
	s1 =	sadd.s32 s1, s30  }
0xc0: {  	s0 =	sor.u32 s3, s0;
	s1 =	sshll.u32 s1, $0x11  }
0xc1: {  	s0 =	sor.u32 s1, s0  }
0xc2: {  	s0 =	sadd.s32 $0x8F2B, s0  }
0xc3: {  	[sflag:s0] =	ssyncadd.remote.s32 $0x1  }
0xc4: {  	_ =	sfence.sel $0xFFFF  }
0xc5: {  	[dreg:$0x0] =	wrdreg $0xFFFFFFFF;
	(pc) =	sbr.abs _section_cstart, $3  }
0xc6: {  	[dreg:$0x1] =	wrdreg $0xFFFFFFFF  }
0xc7: {  	_ =	task.clear_ibuf [dreg:s7], $0x2FFFF;
	_ =	strace $0x9FFFFFFF  }
0xc8: {  	(tm) =	ssettm $0x7FFFFFFF  }
0xc9: {  	_ =	shalt  }
tec
execute0_lowered:
.L_overlay_start_1:
0x0: {  	(tag) =	ssettag $0x1  }
0x1: {  	s2 =	rddreg [dreg:$0x0];
	s0 =	srdreg.scid  }
0x2: {  	s5 =	rddreg [dreg:$0x1];
	s1 =	stileid.u32;
	s6 =	simm.s32 $0x1  }
0x3: {  	s9 =	simm.s32 $0x1;
	s10 =	simm.s32 $0x3;
	s3 =	sshll.u32 s0, $0xB  }
0x4: {  	s13 =	simm.s32 $0x0;
	s4 =	sshll.u32 s1, $0xC;
	s3 =	sand.u32 $0x800, s3  }
0x5: {  	s0 =	rddreg [dreg:$0x2];
	_ =	strace $0x80000047;
	s3 =	sor.u32 s4, s3  }
0x6: {  	s12 =	simm.s32 $0x0;
	[sflag:s6] =	ssyncpa.u1 $0x0;
	s8 =	ssub.s32 $0x14000, s3  }
.Ltmp0:
0x7: {  	s4 =	sadd.s32 $0x100400, s5;
	s7 =	sand.u32 $0xF800, s8;
	(pc) =	sbr.rel .LBB2_1-.Ltmp0, $4  }
0x8: {  	s5 =	sadd.s32 $0x102C00, s5;
	s11 =	smov.u32 s3;
	p0 =	sne.s32 s7, $0x0  }
0x9: {  	s8 =	sshrl.u32 s8, $0x10;
	s7 =	simm.s32 $0x2;
	s9 =	simm.s32 @!p0 $0x0  }
0xa: {  	[sflag:s7] =	ssyncpa.u1 $0x0;
	p0 =	por $0x0, $0x0;
	s8 =	sadd.s32 s9, s8  }
0xb: {  	vm0 =	vmmov $0xffff;
	[sflag:s10] =	ssyncpa.u1 $0x0;
	s10 =	simm.s32 $0x0;
	s9 =	sadd.s32 $0x1, s8  }
.LBB2_4:
0xc: {  	vm1 =	veq.s32 v4, $0x80000000;
	v56 =	vand.u32 $0x7F, v4;
	v6 =	vand.u32 $0x3FFF, v6  }
0xd: {  	v2 =	vor.u32 v2, v5;
	v59 =	vshrl.u32 v1, $0x7;
	v60 =	vand.u32 $0x7F, v1  }
0xe: {  	v4 =	vsel vm1, $0xFFFFFFFF, v56;
	v6 =	vsel vm1, $0xFFFFFFFF, v6;
	v2 =	vor.u32 v3, v2  }
0xf: {  	vm1 =	veq.s32 v1, $0x80000000;
	v5 =	vand.u32 $0x3FFF, v59;
	v7 =	vshrl.u32 v4, $0x3  }
0x10: {  	v57 =	vshll.u32 v6, $0x3;
	v4 =	vshll.u32 v4, $0x7;
	v1 =	vsel vm1, $0xFFFFFFFF, v60  }
0x11: {  	v5 =	vsel vm1, $0xFFFFFFFF, v5;
	v6 =	vand.u32 $0x7F, v6;
	v7 =	vmul.u32 $0x14000, v7  }
0x12: {  	v58 =	vand.u32 $0xFFFFFC00, v57;
	v4 =	vand.u32 $0x380, v4;
	v61 =	vshrl.u32 v1, $0x3  }
0x13: {  	v62 =	vshll.u32 v5, $0x3;
	v3 =	vadd.s32 v7, v58;
	v7 =	vmul.u32 $0x14000, v61  }
0x14: {  	v1 =	vshll.u32 v1, $0x7;
	v3 =	vor.u32 v4, v3;
	v4 =	vand.u32 $0xFFFFFC00, v62  }
0x15: {  	v1 =	vand.u32 $0x380, v1;
	v3 =	vor.u32 v6, v3;
	v4 =	vadd.s32 v7, v4  }
0x16: {  	[tilespmem:s16], [sflag:$0x1] =	stream.indirect_vreg.gather [hbm4b:s2+s10], $0x1, v0, vm0, $0x4038;
	v63 =	vand.u32 $0x7F, v5;
	v1 =	vor.u32 v1, v4;
	[tilespmem:$0x2000] =	vst v63  }
0x17: {  	s15 =	sadd.s32 $0x10, s15;
	(ifvalue) =	ssetifvalue $0x7FFFFFFF;
	v0 =	vor.u32 v63, v1  }
0x18: {  	[tilespmem:s15], [sflag:$0x1] =	stream.indirect_vreg.gather [hbm4b:s2+s10], $0x1, v2, vm0, $0x4038;
	[tilespmem:$0x2000] =	vst v63  }
0x19: {  	s15 =	sadd.s32 $0x10, s15;
	(ifvalue) =	ssetifvalue $0x7FFFFFFF  }
0x1a: {  	[tilespmem:s15], [sflag:$0x1] =	stream.indirect_vreg.gather [hbm4b:s2+s10], $0x1, v3, vm0, $0x4038;
	[tilespmem:$0x2000] =	vst v63  }
0x1b: {  	s15 =	sadd.s32 $0x10, s15;
	(ifvalue) =	ssetifvalue $0x7FFFFFFF  }
0x1c: {  	[tilespmem:s15], [sflag:$0x1] =	stream.indirect_vreg.gather [hbm4b:s2+s10], $0x1, v0, vm0, $0x4038;
	[tilespmem:$0x2000] =	vst v63  }
0x1d: {  	_ =	swait.ge [sflag:s6], $0x800  }
0x1e: {  	s30 =	sshrl.u32 s13, $0x3;
	[sflag:s6] =	ssyncset.done $0x0  }
0x1f: {  	s31 =	sand.u32 $0x7, s13;
	s15 =	sadd.s32 s5, s30;
	[sflag:s6] =	ssyncadd.s32 $0xFFFFF800  }
0x20: {  	[hbm4b:s15+s31] =	stream.linear.scatter [tilespmem:s14], [sflag:$0x3], $0x800, $0x38;
	[tilespmem:$0x2000] =	vst v63  }
.LBB2_5:
0x21: {  	s15 =	sadd.s32 $0x10000, s11  }
0x22: {  	p2 =	sgt.s32 s15, $0x13FFF  }
0x23: {  	s15 =	smov.u32 @p2 s3;
	p2 =	sne.s32 s12, s9  }
.Ltmp1:
0x24: {  	p1 =	slt.u32 s12, $0x2;
	(pc) =	sbr.rel @!p2 .LBB2_6-.Ltmp1, $4  }
0x25: {  	s14 =	simm.s32 @!p1 $0x3  }
0x26: {  	s16 =	sadd.s32 $0x1, s12;
	_ =	swait.ge @!p1 [sflag:s14], $0x800  }
0x27: {  	s13 =	smov.u32 s11;
	p0 =	por !p0, !p0;
	[sflag:s14] =	ssyncset.done @!p1 $0x0  }
0x28: {  	s12 =	smov.u32 s16;
	s11 =	smov.u32 s15;
	[sflag:s14] =	ssyncadd.s32 @!p1 $0xFFFFF800  }
.LBB2_1:
0x29: {  	p1 =	sge.u32 s12, s8  }
0x2a: {  	s14 =	sxor.u32 @!p1 $0xFFFFFFFF, s12  }
0x2b: {  	s31 =	sadd.s32 $0xFFFFFFFF, s12;
	s15 =	sshrl.u32 @!p1 s11, $0x3;
	s14 =	sshll.u32 @!p1 s14, $0xB  }
0x2c: {  	s16 =	sand.u32 @!p1 $0x7, s11;
	s15 =	sadd.s32 @!p1 s4, s15;
	s14 =	sand.u32 @!p1 $0x800, s14  }
0x2d: {  	[tilespmem:s14], [sflag:$0x2] =	stream.linear.gather @!p1 [hbm4b:s15+s16], $0x800, $0x38;
	[tilespmem:$0x2000] =	vst v63  }
0x2e: {  	p1 =	sge.u32 s31, s8  }
.Ltmp2:
0x2f: {  	_ = 	snop;
	(pc) =	sbr.rel @p1 .LBB2_5-.Ltmp2, $1  }
0x30: {  	_ =	sdelay $0x3  }
0x31: {  	s14 =	simm.s32 $0x1  }
0x32: {  	_ =	swait.ge [sflag:s7], $0x800;
	s14 =	simm.s32 @!p0 $0x0  }
0x33: {  	[sflag:s7] =	ssyncset.done $0x0;
	s14 =	sshll.u32 s14, $0xB  }
0x34: {  	[sflag:s7] =	ssyncadd.s32 $0xFFFFF800;
	(ifvalue) =	ssetifvalue $0x7FFFFFFF;
	v0 =	vld.msk [tilespmem:s14+$0x0 ss:$0x1], $0xffff  }
0x35: {  	s15 =	sadd.s32 $0x10, s14  }
0x36: {  	v1 =	vld.msk [tilespmem:s15+$0x0 ss:$0x1], $0xffff;
	_ =	sdelay $0x2  }
0x37: {  	v2 =	vshrl.u32 v0, $0x7  }
0x38: {  	vm1 =	veq.s32 v0, $0x80000000;
	v0 =	vand.u32 $0x7F, v0;
	v2 =	vand.u32 $0x3FFF, v2  }
0x39: {  	v0 =	vsel vm1, $0xFFFFFFFF, v0;
	v6 =	vshrl.u32 v1, $0x7;
	v2 =	vsel vm1, $0xFFFFFFFF, v2  }
0x3a: {  	v3 =	vshrl.u32 v0, $0x3;
	v0 =	vshll.u32 v0, $0x7;
	vm1 =	veq.s32 v1, $0x80000000  }
0x3b: {  	s15 =	sadd.s32 $0x10, s15;
	v1 =	vand.u32 $0x7F, v1;
	v4 =	vshll.u32 v2, $0x3;
	v3 =	vmul.u32 $0x14000, v3  }
0x3c: {  	v0 =	vand.u32 $0x380, v0;
	v7 =	vand.u32 $0x7F, v2;
	v5 =	vand.u32 $0xFFFFFC00, v4;
	v4 =	vld.msk [tilespmem:s15+$0x0 ss:$0x1], $0xffff  }
0x3d: {  	v1 =	vsel vm1, $0xFFFFFFFF, v1;
	v2 =	vadd.s32 v3, v5;
	v3 =	vand.u32 $0x3FFF, v6  }
0x3e: {  	v3 =	vsel vm1, $0xFFFFFFFF, v3;
	v0 =	vor.u32 v0, v2;
	v2 =	vshrl.u32 v1, $0x3  }
0x3f: {  	s16 =	sshll.u32 s12, $0xB;
	s18 =	simm.s32 $0x30;
	v1 =	vshll.u32 v1, $0x7;
	v5 =	vshll.u32 v3, $0x3;
	v8 =	vmul.u32 $0x14000, v2  }
0x40: {  	s31 =	sand.u32 $0x800, s16;
	s17 =	sadd.s32 $0x10, s15;
	s15 =	sor.u32 $0x1000, s14;
	v2 =	vand.u32 $0x380, v1;
	v0 =	vor.u32 v7, v0;
	v5 =	vand.u32 $0xFFFFFC00, v5  }
0x41: {  	s14 =	sor.u32 $0x1000, s31;
	s16 =	smov.u32 s15;
	v1 =	vld.msk [tilespmem:s17+$0x0 ss:$0x1], $0xffff;
	v3 =	vand.u32 $0x7F, v3;
	(ifvalue) =	ssetifvalue $0x7FFFFFFF;
	v6 =	vshrl.u32 v4, $0x7;
	v5 =	vadd.s32 v8, v5  }
.LBB2_3:
0x42: {  	s18 =	sadd.s32 $0x10, s18  }
0x43: {  	vm1 =	veq.s32 v4, $0x80000000;
	v4 =	vand.u32 $0x7F, v4;
	v6 =	vand.u32 $0x3FFF, v6;
	s15 =	sadd.s32 $0x10, s15;
	p1 =	slt.u32 s18, $0x7F0  }
.Ltmp3:
0x44: {  	v5 =	vor.u32 v2, v5;
	v4 =	vsel vm1, $0xFFFFFFFF, v4;
	v7 =	vsel vm1, $0xFFFFFFFF, v6;
	(pc) =	sbr.rel @p1 .LBB2_3-.Ltmp3, $4  }
0x45: {  	v2 =	vshrl.u32 v4, $0x3;
	v6 =	vshll.u32 v7, $0x3;
	v4 =	vshll.u32 v4, $0x7;
	[tilespmem:s16], [sflag:$0x1] =	stream.indirect_vreg.gather [hbm4b:s2+s10], $0x1, v0, vm0, $0x4038;
	[tilespmem:$0x2000] =	vst v63  }
0x46: {  	v0 =	vor.u32 v3, v5;
	s16 =	smov.u32 s15;
	v8 =	vmul.u32 $0x14000, v2;
	v2 =	vand.u32 $0x380, v4  }
0x47: {  	s17 =	sadd.s32 $0x10, s17;
	v9 =	vand.u32 $0xFFFFFC00, v6  }
0x48: {  	v3 =	vand.u32 $0x7F, v7;
	v6 =	vshrl.u32 v1, $0x7;
	v5 =	vadd.s32 v8, v9;
	(ifvalue) =	ssetifvalue $0x7FFFFFFF;
	v4 =	vmovc v1;
	v1 =	vld.msk [tilespmem:s17+$0x0 ss:$0x1], $0xffff  }
.Ltmp4:
0x49: {  	_ = 	snop;
	(pc) =	sbr.rel .LBB2_4-.Ltmp4, $1  }
0x4a: {  	_ =	sdelay $0x3  }
.LBB2_6:
0x4b: {  	_ =	sfence.sel $0x180000  }
0x4c: {  	s2 =	simm.s32 $0x2;
	[bflag:$0x0] =	sbarrier.arrive $0xFFFF  }
0x4d: {  	s30 =	simm.s32 $0x3;
	[sflag:s2] =	ssyncpa.u1 $0x1  }
0x4e: {  	s31 =	simm.s32 $0x1;
	[sflag:s30] =	ssyncpa.u1 $0x1  }
0x4f: {  	[sflag:s31] =	ssyncpa.u1 $0x1  }
0x50: {  	p0 =	sne.s32 s1, $0x0;
	_ =	strace $0x90000047  }
0x51: {  	s0 =	sadd.s32 @!p0 $0x100000, s0;
	[bflag:$0x2] =	sbarrier.arrive $0xFFFF  }
0x52: {  	[sflag:s0] =	ssyncadd.tile.s32 @!p0 $0x1;
	_ =	shalt  }
.Lfunc_end2:
_tile_overlayer_lowered:
.L_overlay_start_2:
0x53: {  	(tag) =	ssettag $0x2  }
0x54: {  	s0 =	rddreg [dreg:$0x0];
	s2 =	stileid.u32  }
0x55: {  	s1 =	rddreg [dreg:$0x1];
	p0 =	sne.s32 s2, $0x0  }
0x56: {  	s3 =	rddreg [dreg:$0x2];
	[bflag:$0x3] =	sbarrier.arrive $0xFFFF;
	s2 =	simm.s32 @!p0 $0x1C01  }
0x57: {  	[timem:s3], [sflag:s2] =	dma.local @!p0 [hbm:s0], s1  }
0x58: {  	s0 =	simm.s32 @!p0 $0x1  }
0x59: {  	_ =	swait.ge @!p0 [sflag:s0], s1  }
0x5a: {  	s1 =	ssub.s32 @!p0 $0x0, s1;
	[sflag:s0] =	ssyncset.done @!p0 $0x0  }
0x5b: {  	[sflag:s0] =	ssyncadd.s32 @!p0 s1  }
0x5c: {  	[bflag:$0x3] =	sbarrier.arrive $0xFFFF  }
0x5d: {  	_ =	shalt  }

</sc_bundles>
